<compile_context>
chip_gen: v7x
topology: tpu7x:2x2x1
jax: 0.10.2.dev20260603
libtpu: 0.0.44.dev20260713+nightly
codegen_flags: <defaults>
</compile_context>

<pallas_src>
import functools

import jax
import jax.numpy as jnp
from jax import lax
from jax.experimental import pallas as pl
from jax.experimental.pallas import tpu as pltpu
from jax.experimental.pallas import tpu_sc as plsc

ROWS = 64
COLS = 32768
N_TOTAL = ROWS * COLS
NC = 2
NS = 16
L = 16
NW = NC * NS

SC_ROWS = 16
TC_ROWS = ROWS - SC_ROWS
SC_PER_W = SC_ROWS * COLS // NW
U = 8

_mesh = plsc.VectorSubcoreMesh(core_axis_name="c", subcore_axis_name="s")


@functools.partial(
    pl.kernel,
    mesh=_mesh,
    out_type=jax.ShapeDtypeStruct((NW, 3 * L), jnp.float32),
    scratch_types=[
        pltpu.VMEM((SC_PER_W,), jnp.float32),
        pltpu.VMEM((SC_PER_W,), jnp.float32),
        pltpu.VMEM((3 * L,), jnp.float32),
    ],
)
def _sc_partial(x_hbm, t_hbm, out_hbm, xv, tv, outv):
    wid = lax.axis_index("s") * NC + lax.axis_index("c")
    elem0 = wid * SC_PER_W
    r = elem0 // COLS
    off = elem0 % COLS
    zero = jnp.zeros((L,), jnp.float32)
    pltpu.sync_copy(x_hbm.at[r, pl.ds(off, SC_PER_W)], xv)
    pltpu.sync_copy(t_hbm.at[r, pl.ds(off, SC_PER_W)], tv)

    def vec_body(j, acc):
        acc = list(acc)
        base = j * (U * L)
        for k in range(U):
            x = xv[pl.ds(base + k * L, L)]
            t = tv[pl.ds(base + k * L, L)]
            d = x - t
            sq = d * d
            acc[k] = acc[k] + sq * t
            acc[U + k] = acc[U + k] + sq
            acc[2 * U + k] = acc[2 * U + k] + t
        return tuple(acc)

    accs = lax.fori_loop(0, SC_PER_W // (U * L), vec_body, (zero,) * (3 * U))

    a_bt = functools.reduce(lambda a, b: a + b, accs[0:U])
    a_sq = functools.reduce(lambda a, b: a + b, accs[U:2 * U])
    a_ct = functools.reduce(lambda a, b: a + b, accs[2 * U:3 * U])
    outv[pl.ds(0, L)] = a_bt
    outv[pl.ds(L, L)] = a_sq
    outv[pl.ds(2 * L, L)] = a_ct
    pltpu.sync_copy(outv, out_hbm.at[wid])


BR = 8
BC = 8192
TC_RSTEPS = TC_ROWS // BR
TC_CSTEPS = COLS // BC
TCU = 4


def _tc_body(x_ref, t_ref, o_ref, acc_ref):
    i = pl.program_id(0)
    j = pl.program_id(1)
    zero = jnp.zeros((BR, 128), jnp.float32)
    accs = (zero,) * (3 * TCU)

    def lane_body(jj, acc):
        acc = list(acc)
        base = jj * (TCU * 128)
        for k in range(TCU):
            x = x_ref[:, pl.ds(base + k * 128, 128)]
            t = t_ref[:, pl.ds(base + k * 128, 128)]
            d = x - t
            sq = d * d
            acc[k] = acc[k] + sq * t
            acc[TCU + k] = acc[TCU + k] + sq
            acc[2 * TCU + k] = acc[2 * TCU + k] + t
        return tuple(acc)

    accs = lax.fori_loop(0, BC // (TCU * 128), lane_body, accs)
    a_bt = functools.reduce(lambda a, b: a + b, accs[0:TCU])
    a_sq = functools.reduce(lambda a, b: a + b, accs[TCU:2 * TCU])
    a_ct = functools.reduce(lambda a, b: a + b, accs[2 * TCU:3 * TCU])

    first = jnp.logical_and(i == 0, j == 0)
    last = jnp.logical_and(i == TC_RSTEPS - 1, j == TC_CSTEPS - 1)

    @pl.when(first)
    def _():
        acc_ref[0] = a_bt
        acc_ref[1] = a_sq
        acc_ref[2] = a_ct

    @pl.when(jnp.logical_not(first))
    def _():
        acc_ref[0] += a_bt
        acc_ref[1] += a_sq
        acc_ref[2] += a_ct

    @pl.when(last)
    def _():
        o_ref[0] = jnp.sum(acc_ref[0])
        o_ref[1] = jnp.sum(acc_ref[1])
        o_ref[2] = jnp.sum(acc_ref[2])


_tc_partial = pl.pallas_call(
    _tc_body,
    grid=(TC_RSTEPS, TC_CSTEPS),
    in_specs=[
        pl.BlockSpec((BR, BC), lambda i, j: (SC_ROWS // BR + i, j)),
        pl.BlockSpec((BR, BC), lambda i, j: (SC_ROWS // BR + i, j)),
    ],
    out_specs=pl.BlockSpec(memory_space=pltpu.SMEM),
    out_shape=jax.ShapeDtypeStruct((3,), jnp.float32),
    scratch_shapes=[pltpu.VMEM((3, BR, 128), jnp.float32)],
    compiler_params=pltpu.CompilerParams(
        dimension_semantics=("arbitrary", "arbitrary"),
    ),
)


def kernel(input, target):
    sc_p = _sc_partial(input, target)
    tc_p = _tc_partial(input, target)
    bt = tc_p[0] + jnp.sum(sc_p[:, 0:L])
    sq = tc_p[1] + jnp.sum(sc_p[:, L:2 * L])
    ct = tc_p[2] + jnp.sum(sc_p[:, 2 * L:3 * L])
    beat_count = jnp.maximum(ct, 1.0)
    no_beat_count = jnp.maximum(jnp.float32(N_TOTAL) - ct, 1.0)
    beat_loss = bt / beat_count
    no_beat_loss = (sq - bt) / no_beat_count
    return (no_beat_loss + beat_loss, beat_loss, no_beat_loss)

# --- scband reference (transcript-rebuilt; emitter-appended) ---
"""Pipeline reference for scband-global-mseloss-32289564131444 (READ-ONLY COPY).

The authoritative reference and input builder live on the scoring server;
editing this copy changes nothing except your own understanding.
"""

import jax, jax.numpy as jnp
import numpy as np


def setup_inputs(seed: int = 0) -> dict:
    key = jax.random.key(seed)
    k1, k2 = jax.random.split(key)
    inp = jax.random.normal(k1, (64, 32768), dtype=jnp.float32)
    target = jax.random.randint(k2, (64, 32768), 0, 2).astype(jnp.float32)
    return {"input": inp, "target": target}


def reference(input, target):
    # torch: input[..., target == 1] selects elements where target == 1,
    # then mse_loss takes the mean over the selected elements.
    # JAX equivalent (static shapes): masked sum / mask count.
    beat_mask = (target == 1.0).astype(jnp.float32)
    no_beat_mask = (target == 0.0).astype(jnp.float32)
    sq = (input - target) ** 2
    beat_count = jnp.maximum(jnp.sum(beat_mask), 1.0)
    no_beat_count = jnp.maximum(jnp.sum(no_beat_mask), 1.0)
    beat_loss = jnp.sum(sq * beat_mask) / beat_count
    no_beat_loss = jnp.sum(sq * no_beat_mask) / no_beat_count
    return (no_beat_loss + beat_loss, beat_loss, no_beat_loss)

if __name__ == "__main__":
    import jax
    _d = setup_inputs()
    print(jax.jit(kernel)(*tuple(_d.values())))

</pallas_src>

<mosaic_0001>
#map = affine_map<(d0, d1) -> (0, 0)>
module attributes {stable_mosaic.version = 14 : i64} {
  func.func @_sc_partial(%arg0: i32, %arg1: i32, %arg2: memref<64x32768xf32, #tpu.memory_space<hbm>>, %arg3: memref<64x32768xf32, #tpu.memory_space<hbm>>, %arg4: memref<32x48xf32, #tpu.memory_space<hbm>>, %arg5: memref<16384xf32, #tpu.memory_space<vmem>>, %arg6: memref<16384xf32, #tpu.memory_space<vmem>>, %arg7: memref<48xf32, #tpu.memory_space<vmem>>) attributes {dimension_semantics = [#tpu.dimension_semantics<core_parallel>, #tpu.dimension_semantics<subcore_parallel>], iteration_bounds = array<i64: 2, 16>, scalar_prefetch = 0 : i64, scratch_operands = 3 : i64, tpu.core_type = #tpu.core_type<sc_vector_subcore>, window_params = [{transform_indices = #map}, {transform_indices = #map}, {transform_indices = #map}]} {
    %mul3A = arith.constant 2 : i32
    %mul3A_0 = arith.muli %arg1, %mul3A : i32
    %add3A = arith.addi %mul3A_0, %arg0 : i32
    %mul3A_1 = arith.constant 16384 : i32
    %mul3A_2 = arith.muli %add3A, %mul3A_1 : i32
    %jit3A = arith.constant 32768 : i32
    %div3A = arith.divsi %mul3A_2, %jit3A : i32
    %sign3A = arith.constant 0 : i32
    %sign3A_3 = arith.cmpi sgt, %mul3A_2, %sign3A : i32
    %sign3A_4 = arith.extui %sign3A_3 : i1 to i32
    %sign3A_5 = arith.constant 0 : i32
    %sign3A_6 = arith.cmpi slt, %mul3A_2, %sign3A_5 : i32
    %sign3A_7 = arith.extui %sign3A_6 : i1 to i32
    %sign3A_8 = arith.subi %sign3A_4, %sign3A_7 : i32
    %sign3A_9 = arith.constant 0 : i32
    %sign3A_10 = arith.cmpi sgt, %jit3A, %sign3A_9 : i32
    %sign3A_11 = arith.extui %sign3A_10 : i1 to i32
    %sign3A_12 = arith.constant 0 : i32
    %sign3A_13 = arith.cmpi slt, %jit3A, %sign3A_12 : i32
    %sign3A_14 = arith.extui %sign3A_13 : i1 to i32
    %sign3A_15 = arith.subi %sign3A_11, %sign3A_14 : i32
    %ne3A = arith.cmpi ne, %sign3A_8, %sign3A_15 : i32
    %rem3A = arith.remsi %mul3A_2, %jit3A : i32
    %ne3A_16 = arith.constant 0 : i32
    %ne3A_17 = arith.cmpi ne, %rem3A, %ne3A_16 : i32
    %and3A = arith.andi %ne3A, %ne3A_17 : i1
    %sub3A = arith.constant 1 : i32
    %sub3A_18 = arith.subi %div3A, %sub3A : i32
    %select_n3A = arith.select %and3A, %sub3A_18, %div3A : i32
    %jit3A_19 = arith.constant 32768 : i32
    %eq3A = arith.constant 0 : i32
    %eq3A_20 = arith.cmpi eq, %jit3A_19, %eq3A : i32
    %jit3A_21 = arith.constant 1 : i32
    %select_n3A_22 = arith.select %eq3A_20, %jit3A_21, %jit3A_19 : i32
    %rem3A_23 = arith.remsi %mul3A_2, %select_n3A_22 : i32
    %ne3A_24 = arith.constant 0 : i32
    %ne3A_25 = arith.cmpi ne, %rem3A_23, %ne3A_24 : i32
    %lt3A = arith.constant 0 : i32
    %lt3A_26 = arith.cmpi slt, %rem3A_23, %lt3A : i32
    %lt3A_27 = arith.constant 0 : i32
    %lt3A_28 = arith.cmpi slt, %select_n3A_22, %lt3A_27 : i32
    %ne3A_29 = arith.xori %lt3A_26, %lt3A_28 : i1
    %and3A_30 = arith.andi %ne3A_29, %ne3A_25 : i1
    %add3A_31 = arith.addi %rem3A_23, %select_n3A_22 : i32
    %select_n3A_32 = arith.select %and3A_30, %add3A_31, %rem3A_23 : i32
    %broadcast_in_dim3A = arith.constant 0.000000e+00 : f32
    %broadcast_in_dim3A_33 = vector.broadcast %broadcast_in_dim3A : f32 to vector<16xf32>
    "tpu.region"() ({
      %run_scoped3A = tpu.sem_alloc : memref<!tpu.dma_semaphore, #tpu.memory_space<semaphore_mem>>
      %dma_start3A = tpu.memref_slice %arg2[%select_n3A, %select_n3A_32] : memref<64x32768xf32, #tpu.memory_space<hbm>> -> memref<1x16384xf32, #tpu.memory_space<hbm>>
      %dma_start3A_71 = tpu.memref_squeeze %dma_start3A : memref<1x16384xf32, #tpu.memory_space<hbm>> -> memref<16384xf32, #tpu.memory_space<hbm>>
      %dma_start3A_72 = tpu.memref_slice %arg2[%select_n3A, %select_n3A_32] : memref<64x32768xf32, #tpu.memory_space<hbm>> -> memref<1x16384xf32, #tpu.memory_space<hbm>>
      %dma_start3A_73 = tpu.memref_squeeze %dma_start3A_72 : memref<1x16384xf32, #tpu.memory_space<hbm>> -> memref<16384xf32, #tpu.memory_space<hbm>>
      tpu.enqueue_dma source(%dma_start3A_73 : memref<16384xf32, #tpu.memory_space<hbm>>) target(%arg5 : memref<16384xf32, #tpu.memory_space<vmem>>) target_semaphore(%run_scoped3A : memref<!tpu.dma_semaphore, #tpu.memory_space<semaphore_mem>>)
      %dma_wait3A = tpu.memref_slice %arg2[%select_n3A, %select_n3A_32] : memref<64x32768xf32, #tpu.memory_space<hbm>> -> memref<1x16384xf32, #tpu.memory_space<hbm>>
      %dma_wait3A_74 = tpu.memref_squeeze %dma_wait3A : memref<1x16384xf32, #tpu.memory_space<hbm>> -> memref<16384xf32, #tpu.memory_space<hbm>>
      %dma_wait3A_75 = tpu.memref_slice %arg2[%select_n3A, %select_n3A_32] : memref<64x32768xf32, #tpu.memory_space<hbm>> -> memref<1x16384xf32, #tpu.memory_space<hbm>>
      %dma_wait3A_76 = tpu.memref_squeeze %dma_wait3A_75 : memref<1x16384xf32, #tpu.memory_space<hbm>> -> memref<16384xf32, #tpu.memory_space<hbm>>
      tpu.wait_dma2 semaphore(%run_scoped3A : memref<!tpu.dma_semaphore, #tpu.memory_space<semaphore_mem>>) src(%dma_wait3A_76 : memref<16384xf32, #tpu.memory_space<hbm>>) dst(%arg5 : memref<16384xf32, #tpu.memory_space<vmem>>)
      tpu.yield
    }) : () -> ()
    "tpu.region"() ({
      %run_scoped3A = tpu.sem_alloc : memref<!tpu.dma_semaphore, #tpu.memory_space<semaphore_mem>>
      %dma_start3A = tpu.memref_slice %arg3[%select_n3A, %select_n3A_32] : memref<64x32768xf32, #tpu.memory_space<hbm>> -> memref<1x16384xf32, #tpu.memory_space<hbm>>
      %dma_start3A_71 = tpu.memref_squeeze %dma_start3A : memref<1x16384xf32, #tpu.memory_space<hbm>> -> memref<16384xf32, #tpu.memory_space<hbm>>
      %dma_start3A_72 = tpu.memref_slice %arg3[%select_n3A, %select_n3A_32] : memref<64x32768xf32, #tpu.memory_space<hbm>> -> memref<1x16384xf32, #tpu.memory_space<hbm>>
      %dma_start3A_73 = tpu.memref_squeeze %dma_start3A_72 : memref<1x16384xf32, #tpu.memory_space<hbm>> -> memref<16384xf32, #tpu.memory_space<hbm>>
      tpu.enqueue_dma source(%dma_start3A_73 : memref<16384xf32, #tpu.memory_space<hbm>>) target(%arg6 : memref<16384xf32, #tpu.memory_space<vmem>>) target_semaphore(%run_scoped3A : memref<!tpu.dma_semaphore, #tpu.memory_space<semaphore_mem>>)
      %dma_wait3A = tpu.memref_slice %arg3[%select_n3A, %select_n3A_32] : memref<64x32768xf32, #tpu.memory_space<hbm>> -> memref<1x16384xf32, #tpu.memory_space<hbm>>
      %dma_wait3A_74 = tpu.memref_squeeze %dma_wait3A : memref<1x16384xf32, #tpu.memory_space<hbm>> -> memref<16384xf32, #tpu.memory_space<hbm>>
      %dma_wait3A_75 = tpu.memref_slice %arg3[%select_n3A, %select_n3A_32] : memref<64x32768xf32, #tpu.memory_space<hbm>> -> memref<1x16384xf32, #tpu.memory_space<hbm>>
      %dma_wait3A_76 = tpu.memref_squeeze %dma_wait3A_75 : memref<1x16384xf32, #tpu.memory_space<hbm>> -> memref<16384xf32, #tpu.memory_space<hbm>>
      tpu.wait_dma2 semaphore(%run_scoped3A : memref<!tpu.dma_semaphore, #tpu.memory_space<semaphore_mem>>) src(%dma_wait3A_76 : memref<16384xf32, #tpu.memory_space<hbm>>) dst(%arg6 : memref<16384xf32, #tpu.memory_space<vmem>>)
      tpu.yield
    }) : () -> ()
    %scan3A = arith.constant 0 : i32
    %scan3A_34 = arith.constant 128 : i32
    %scan3A_35 = arith.addi %scan3A, %scan3A_34 : i32
    %scan3A_36 = arith.constant 1 : i32
    %scan3A_37:24 = scf.for %scan3A_71 = %scan3A to %scan3A_35 step %scan3A_36 iter_args(%scan3A_72 = %broadcast_in_dim3A_33, %scan3A_73 = %broadcast_in_dim3A_33, %scan3A_74 = %broadcast_in_dim3A_33, %scan3A_75 = %broadcast_in_dim3A_33, %scan3A_76 = %broadcast_in_dim3A_33, %scan3A_77 = %broadcast_in_dim3A_33, %scan3A_78 = %broadcast_in_dim3A_33, %scan3A_79 = %broadcast_in_dim3A_33, %scan3A_80 = %broadcast_in_dim3A_33, %scan3A_81 = %broadcast_in_dim3A_33, %scan3A_82 = %broadcast_in_dim3A_33, %scan3A_83 = %broadcast_in_dim3A_33, %scan3A_84 = %broadcast_in_dim3A_33, %scan3A_85 = %broadcast_in_dim3A_33, %scan3A_86 = %broadcast_in_dim3A_33, %scan3A_87 = %broadcast_in_dim3A_33, %scan3A_88 = %broadcast_in_dim3A_33, %scan3A_89 = %broadcast_in_dim3A_33, %scan3A_90 = %broadcast_in_dim3A_33, %scan3A_91 = %broadcast_in_dim3A_33, %scan3A_92 = %broadcast_in_dim3A_33, %scan3A_93 = %broadcast_in_dim3A_33, %scan3A_94 = %broadcast_in_dim3A_33, %scan3A_95 = %broadcast_in_dim3A_33) -> (vector<16xf32>, vector<16xf32>, vector<16xf32>, vector<16xf32>, vector<16xf32>, vector<16xf32>, vector<16xf32>, vector<16xf32>, vector<16xf32>, vector<16xf32>, vector<16xf32>, vector<16xf32>, vector<16xf32>, vector<16xf32>, vector<16xf32>, vector<16xf32>, vector<16xf32>, vector<16xf32>, vector<16xf32>, vector<16xf32>, vector<16xf32>, vector<16xf32>, vector<16xf32>, vector<16xf32>)  : i32 {
      %mul3A_96 = arith.constant 128 : i32
      %mul3A_97 = arith.muli %scan3A_71, %mul3A_96 : i32
      %add3A_98 = arith.constant 0 : i32
      %add3A_99 = arith.addi %mul3A_97, %add3A_98 : i32
      %get3A = arith.index_cast %add3A_99 : i32 to index
      %get3A_100 = tpu.vector_load %arg5[%get3A] {strides = array<i32>} : memref<16384xf32, #tpu.memory_space<vmem>>, vector<16xf32>,
      %get3A_101 = vector.shape_cast %get3A_100 : vector<16xf32> to vector<16xf32>
      %add3A_102 = arith.constant 0 : i32
      %add3A_103 = arith.addi %mul3A_97, %add3A_102 : i32
      %get3A_104 = arith.index_cast %add3A_103 : i32 to index
      %get3A_105 = tpu.vector_load %arg6[%get3A_104] {strides = array<i32>} : memref<16384xf32, #tpu.memory_space<vmem>>, vector<16xf32>,
      %get3A_106 = vector.shape_cast %get3A_105 : vector<16xf32> to vector<16xf32>
      %sub3A_107 = arith.subf %get3A_101, %get3A_106 : vector<16xf32>
      %mul3A_108 = arith.mulf %sub3A_107, %sub3A_107 : vector<16xf32>
      %mul3A_109 = arith.mulf %mul3A_108, %get3A_106 : vector<16xf32>
      %add3A_110 = arith.addf %scan3A_72, %mul3A_109 : vector<16xf32>
      %add3A_111 = arith.addf %scan3A_80, %mul3A_108 : vector<16xf32>
      %add3A_112 = arith.addf %scan3A_88, %get3A_106 : vector<16xf32>
      %add3A_113 = arith.constant 16 : i32
      %add3A_114 = arith.addi %mul3A_97, %add3A_113 : i32
      %get3A_115 = arith.index_cast %add3A_114 : i32 to index
      %get3A_116 = tpu.vector_load %arg5[%get3A_115] {strides = array<i32>} : memref<16384xf32, #tpu.memory_space<vmem>>, vector<16xf32>,
      %get3A_117 = vector.shape_cast %get3A_116 : vector<16xf32> to vector<16xf32>
      %add3A_118 = arith.constant 16 : i32
      %add3A_119 = arith.addi %mul3A_97, %add3A_118 : i32
      %get3A_120 = arith.index_cast %add3A_119 : i32 to index
      %get3A_121 = tpu.vector_load %arg6[%get3A_120] {strides = array<i32>} : memref<16384xf32, #tpu.memory_space<vmem>>, vector<16xf32>,
      %get3A_122 = vector.shape_cast %get3A_121 : vector<16xf32> to vector<16xf32>
      %sub3A_123 = arith.subf %get3A_117, %get3A_122 : vector<16xf32>
      %mul3A_124 = arith.mulf %sub3A_123, %sub3A_123 : vector<16xf32>
      %mul3A_125 = arith.mulf %mul3A_124, %get3A_122 : vector<16xf32>
      %add3A_126 = arith.addf %scan3A_73, %mul3A_125 : vector<16xf32>
      %add3A_127 = arith.addf %scan3A_81, %mul3A_124 : vector<16xf32>
      %add3A_128 = arith.addf %scan3A_89, %get3A_122 : vector<16xf32>
      %add3A_129 = arith.constant 32 : i32
      %add3A_130 = arith.addi %mul3A_97, %add3A_129 : i32
      %get3A_131 = arith.index_cast %add3A_130 : i32 to index
      %get3A_132 = tpu.vector_load %arg5[%get3A_131] {strides = array<i32>} : memref<16384xf32, #tpu.memory_space<vmem>>, vector<16xf32>,
      %get3A_133 = vector.shape_cast %get3A_132 : vector<16xf32> to vector<16xf32>
      %add3A_134 = arith.constant 32 : i32
      %add3A_135 = arith.addi %mul3A_97, %add3A_134 : i32
      %get3A_136 = arith.index_cast %add3A_135 : i32 to index
      %get3A_137 = tpu.vector_load %arg6[%get3A_136] {strides = array<i32>} : memref<16384xf32, #tpu.memory_space<vmem>>, vector<16xf32>,
      %get3A_138 = vector.shape_cast %get3A_137 : vector<16xf32> to vector<16xf32>
      %sub3A_139 = arith.subf %get3A_133, %get3A_138 : vector<16xf32>
      %mul3A_140 = arith.mulf %sub3A_139, %sub3A_139 : vector<16xf32>
      %mul3A_141 = arith.mulf %mul3A_140, %get3A_138 : vector<16xf32>
      %add3A_142 = arith.addf %scan3A_74, %mul3A_141 : vector<16xf32>
      %add3A_143 = arith.addf %scan3A_82, %mul3A_140 : vector<16xf32>
      %add3A_144 = arith.addf %scan3A_90, %get3A_138 : vector<16xf32>
      %add3A_145 = arith.constant 48 : i32
      %add3A_146 = arith.addi %mul3A_97, %add3A_145 : i32
      %get3A_147 = arith.index_cast %add3A_146 : i32 to index
      %get3A_148 = tpu.vector_load %arg5[%get3A_147] {strides = array<i32>} : memref<16384xf32, #tpu.memory_space<vmem>>, vector<16xf32>,
      %get3A_149 = vector.shape_cast %get3A_148 : vector<16xf32> to vector<16xf32>
      %add3A_150 = arith.constant 48 : i32
      %add3A_151 = arith.addi %mul3A_97, %add3A_150 : i32
      %get3A_152 = arith.index_cast %add3A_151 : i32 to index
      %get3A_153 = tpu.vector_load %arg6[%get3A_152] {strides = array<i32>} : memref<16384xf32, #tpu.memory_space<vmem>>, vector<16xf32>,
      %get3A_154 = vector.shape_cast %get3A_153 : vector<16xf32> to vector<16xf32>
      %sub3A_155 = arith.subf %get3A_149, %get3A_154 : vector<16xf32>
      %mul3A_156 = arith.mulf %sub3A_155, %sub3A_155 : vector<16xf32>
      %mul3A_157 = arith.mulf %mul3A_156, %get3A_154 : vector<16xf32>
      %add3A_158 = arith.addf %scan3A_75, %mul3A_157 : vector<16xf32>
      %add3A_159 = arith.addf %scan3A_83, %mul3A_156 : vector<16xf32>
      %add3A_160 = arith.addf %scan3A_91, %get3A_154 : vector<16xf32>
      %add3A_161 = arith.constant 64 : i32
      %add3A_162 = arith.addi %mul3A_97, %add3A_161 : i32
      %get3A_163 = arith.index_cast %add3A_162 : i32 to index
      %get3A_164 = tpu.vector_load %arg5[%get3A_163] {strides = array<i32>} : memref<16384xf32, #tpu.memory_space<vmem>>, vector<16xf32>,
      %get3A_165 = vector.shape_cast %get3A_164 : vector<16xf32> to vector<16xf32>
      %add3A_166 = arith.constant 64 : i32
      %add3A_167 = arith.addi %mul3A_97, %add3A_166 : i32
      %get3A_168 = arith.index_cast %add3A_167 : i32 to index
      %get3A_169 = tpu.vector_load %arg6[%get3A_168] {strides = array<i32>} : memref<16384xf32, #tpu.memory_space<vmem>>, vector<16xf32>,
      %get3A_170 = vector.shape_cast %get3A_169 : vector<16xf32> to vector<16xf32>
      %sub3A_171 = arith.subf %get3A_165, %get3A_170 : vector<16xf32>
      %mul3A_172 = arith.mulf %sub3A_171, %sub3A_171 : vector<16xf32>
      %mul3A_173 = arith.mulf %mul3A_172, %get3A_170 : vector<16xf32>
      %add3A_174 = arith.addf %scan3A_76, %mul3A_173 : vector<16xf32>
      %add3A_175 = arith.addf %scan3A_84, %mul3A_172 : vector<16xf32>
      %add3A_176 = arith.addf %scan3A_92, %get3A_170 : vector<16xf32>
      %add3A_177 = arith.constant 80 : i32
      %add3A_178 = arith.addi %mul3A_97, %add3A_177 : i32
      %get3A_179 = arith.index_cast %add3A_178 : i32 to index
      %get3A_180 = tpu.vector_load %arg5[%get3A_179] {strides = array<i32>} : memref<16384xf32, #tpu.memory_space<vmem>>, vector<16xf32>,
      %get3A_181 = vector.shape_cast %get3A_180 : vector<16xf32> to vector<16xf32>
      %add3A_182 = arith.constant 80 : i32
      %add3A_183 = arith.addi %mul3A_97, %add3A_182 : i32
      %get3A_184 = arith.index_cast %add3A_183 : i32 to index
      %get3A_185 = tpu.vector_load %arg6[%get3A_184] {strides = array<i32>} : memref<16384xf32, #tpu.memory_space<vmem>>, vector<16xf32>,
      %get3A_186 = vector.shape_cast %get3A_185 : vector<16xf32> to vector<16xf32>
      %sub3A_187 = arith.subf %get3A_181, %get3A_186 : vector<16xf32>
      %mul3A_188 = arith.mulf %sub3A_187, %sub3A_187 : vector<16xf32>
      %mul3A_189 = arith.mulf %mul3A_188, %get3A_186 : vector<16xf32>
      %add3A_190 = arith.addf %scan3A_77, %mul3A_189 : vector<16xf32>
      %add3A_191 = arith.addf %scan3A_85, %mul3A_188 : vector<16xf32>
      %add3A_192 = arith.addf %scan3A_93, %get3A_186 : vector<16xf32>
      %add3A_193 = arith.constant 96 : i32
      %add3A_194 = arith.addi %mul3A_97, %add3A_193 : i32
      %get3A_195 = arith.index_cast %add3A_194 : i32 to index
      %get3A_196 = tpu.vector_load %arg5[%get3A_195] {strides = array<i32>} : memref<16384xf32, #tpu.memory_space<vmem>>, vector<16xf32>,
      %get3A_197 = vector.shape_cast %get3A_196 : vector<16xf32> to vector<16xf32>
      %add3A_198 = arith.constant 96 : i32
      %add3A_199 = arith.addi %mul3A_97, %add3A_198 : i32
      %get3A_200 = arith.index_cast %add3A_199 : i32 to index
      %get3A_201 = tpu.vector_load %arg6[%get3A_200] {strides = array<i32>} : memref<16384xf32, #tpu.memory_space<vmem>>, vector<16xf32>,
      %get3A_202 = vector.shape_cast %get3A_201 : vector<16xf32> to vector<16xf32>
      %sub3A_203 = arith.subf %get3A_197, %get3A_202 : vector<16xf32>
      %mul3A_204 = arith.mulf %sub3A_203, %sub3A_203 : vector<16xf32>
      %mul3A_205 = arith.mulf %mul3A_204, %get3A_202 : vector<16xf32>
      %add3A_206 = arith.addf %scan3A_78, %mul3A_205 : vector<16xf32>
      %add3A_207 = arith.addf %scan3A_86, %mul3A_204 : vector<16xf32>
      %add3A_208 = arith.addf %scan3A_94, %get3A_202 : vector<16xf32>
      %add3A_209 = arith.constant 112 : i32
      %add3A_210 = arith.addi %mul3A_97, %add3A_209 : i32
      %get3A_211 = arith.index_cast %add3A_210 : i32 to index
      %get3A_212 = tpu.vector_load %arg5[%get3A_211] {strides = array<i32>} : memref<16384xf32, #tpu.memory_space<vmem>>, vector<16xf32>,
      %get3A_213 = vector.shape_cast %get3A_212 : vector<16xf32> to vector<16xf32>
      %add3A_214 = arith.constant 112 : i32
      %add3A_215 = arith.addi %mul3A_97, %add3A_214 : i32
      %get3A_216 = arith.index_cast %add3A_215 : i32 to index
      %get3A_217 = tpu.vector_load %arg6[%get3A_216] {strides = array<i32>} : memref<16384xf32, #tpu.memory_space<vmem>>, vector<16xf32>,
      %get3A_218 = vector.shape_cast %get3A_217 : vector<16xf32> to vector<16xf32>
      %sub3A_219 = arith.subf %get3A_213, %get3A_218 : vector<16xf32>
      %mul3A_220 = arith.mulf %sub3A_219, %sub3A_219 : vector<16xf32>
      %mul3A_221 = arith.mulf %mul3A_220, %get3A_218 : vector<16xf32>
      %add3A_222 = arith.addf %scan3A_79, %mul3A_221 : vector<16xf32>
      %add3A_223 = arith.addf %scan3A_87, %mul3A_220 : vector<16xf32>
      %add3A_224 = arith.addf %scan3A_95, %get3A_218 : vector<16xf32>
      scf.yield %add3A_110, %add3A_126, %add3A_142, %add3A_158, %add3A_174, %add3A_190, %add3A_206, %add3A_222, %add3A_111, %add3A_127, %add3A_143, %add3A_159, %add3A_175, %add3A_191, %add3A_207, %add3A_223, %add3A_112, %add3A_128, %add3A_144, %add3A_160, %add3A_176, %add3A_192, %add3A_208, %add3A_224 : vector<16xf32>, vector<16xf32>, vector<16xf32>, vector<16xf32>, vector<16xf32>, vector<16xf32>, vector<16xf32>, vector<16xf32>, vector<16xf32>, vector<16xf32>, vector<16xf32>, vector<16xf32>, vector<16xf32>, vector<16xf32>, vector<16xf32>, vector<16xf32>, vector<16xf32>, vector<16xf32>, vector<16xf32>, vector<16xf32>, vector<16xf32>, vector<16xf32>, vector<16xf32>, vector<16xf32>
    }
    %scan3A_38 = arith.constant 128 : i32
    %add3A_39 = arith.addf %scan3A_37#0, %scan3A_37#1 : vector<16xf32>
    %add3A_40 = arith.addf %add3A_39, %scan3A_37#2 : vector<16xf32>
    %add3A_41 = arith.addf %add3A_40, %scan3A_37#3 : vector<16xf32>
    %add3A_42 = arith.addf %add3A_41, %scan3A_37#4 : vector<16xf32>
    %add3A_43 = arith.addf %add3A_42, %scan3A_37#5 : vector<16xf32>
    %add3A_44 = arith.addf %add3A_43, %scan3A_37#6 : vector<16xf32>
    %add3A_45 = arith.addf %add3A_44, %scan3A_37#7 : vector<16xf32>
    %add3A_46 = arith.addf %scan3A_37#8, %scan3A_37#9 : vector<16xf32>
    %add3A_47 = arith.addf %add3A_46, %scan3A_37#10 : vector<16xf32>
    %add3A_48 = arith.addf %add3A_47, %scan3A_37#11 : vector<16xf32>
    %add3A_49 = arith.addf %add3A_48, %scan3A_37#12 : vector<16xf32>
    %add3A_50 = arith.addf %add3A_49, %scan3A_37#13 : vector<16xf32>
    %add3A_51 = arith.addf %add3A_50, %scan3A_37#14 : vector<16xf32>
    %add3A_52 = arith.addf %add3A_51, %scan3A_37#15 : vector<16xf32>
    %add3A_53 = arith.addf %scan3A_37#16, %scan3A_37#17 : vector<16xf32>
    %add3A_54 = arith.addf %add3A_53, %scan3A_37#18 : vector<16xf32>
    %add3A_55 = arith.addf %add3A_54, %scan3A_37#19 : vector<16xf32>
    %add3A_56 = arith.addf %add3A_55, %scan3A_37#20 : vector<16xf32>
    %add3A_57 = arith.addf %add3A_56, %scan3A_37#21 : vector<16xf32>
    %add3A_58 = arith.addf %add3A_57, %scan3A_37#22 : vector<16xf32>
    %add3A_59 = arith.addf %add3A_58, %scan3A_37#23 : vector<16xf32>
    %swap3A = arith.constant 0 : index
    %swap3A_60 = tpu.vector_load %arg7[%swap3A] {strides = array<i32>} : memref<48xf32, #tpu.memory_space<vmem>>, vector<16xf32>,
    %swap3A_61 = vector.shape_cast %swap3A_60 : vector<16xf32> to vector<16xf32>
    %swap3A_62 = vector.shape_cast %add3A_45 : vector<16xf32> to vector<16xf32>
    tpu.vector_store %arg7[%swap3A], %swap3A_62 {strides = array<i32>} : memref<48xf32, #tpu.memory_space<vmem>>, vector<16xf32>,
    %swap3A_63 = arith.constant 16 : index
    %swap3A_64 = tpu.vector_load %arg7[%swap3A_63] {strides = array<i32>} : memref<48xf32, #tpu.memory_space<vmem>>, vector<16xf32>,
    %swap3A_65 = vector.shape_cast %swap3A_64 : vector<16xf32> to vector<16xf32>
    %swap3A_66 = vector.shape_cast %add3A_52 : vector<16xf32> to vector<16xf32>
    tpu.vector_store %arg7[%swap3A_63], %swap3A_66 {strides = array<i32>} : memref<48xf32, #tpu.memory_space<vmem>>, vector<16xf32>,
    %swap3A_67 = arith.constant 32 : index
    %swap3A_68 = tpu.vector_load %arg7[%swap3A_67] {strides = array<i32>} : memref<48xf32, #tpu.memory_space<vmem>>, vector<16xf32>,
    %swap3A_69 = vector.shape_cast %swap3A_68 : vector<16xf32> to vector<16xf32>
    %swap3A_70 = vector.shape_cast %add3A_59 : vector<16xf32> to vector<16xf32>
    tpu.vector_store %arg7[%swap3A_67], %swap3A_70 {strides = array<i32>} : memref<48xf32, #tpu.memory_space<vmem>>, vector<16xf32>,
    "tpu.region"() ({
      %run_scoped3A = tpu.sem_alloc : memref<!tpu.dma_semaphore, #tpu.memory_space<semaphore_mem>>
      %dma_start3A = arith.constant 0 : i32
      %dma_start3A_71 = tpu.memref_slice %arg4[%add3A, %dma_start3A] : memref<32x48xf32, #tpu.memory_space<hbm>> -> memref<1x48xf32, #tpu.memory_space<hbm>>
      %dma_start3A_72 = tpu.memref_squeeze %dma_start3A_71 : memref<1x48xf32, #tpu.memory_space<hbm>> -> memref<48xf32, #tpu.memory_space<hbm>>
      %dma_start3A_73 = arith.constant 0 : i32
      %dma_start3A_74 = tpu.memref_slice %arg4[%add3A, %dma_start3A_73] : memref<32x48xf32, #tpu.memory_space<hbm>> -> memref<1x48xf32, #tpu.memory_space<hbm>>
      %dma_start3A_75 = tpu.memref_squeeze %dma_start3A_74 : memref<1x48xf32, #tpu.memory_space<hbm>> -> memref<48xf32, #tpu.memory_space<hbm>>
      tpu.enqueue_dma source(%arg7 : memref<48xf32, #tpu.memory_space<vmem>>) target(%dma_start3A_75 : memref<48xf32, #tpu.memory_space<hbm>>) target_semaphore(%run_scoped3A : memref<!tpu.dma_semaphore, #tpu.memory_space<semaphore_mem>>)
      %dma_wait3A = arith.constant 0 : i32
      %dma_wait3A_76 = tpu.memref_slice %arg4[%add3A, %dma_wait3A] : memref<32x48xf32, #tpu.memory_space<hbm>> -> memref<1x48xf32, #tpu.memory_space<hbm>>
      %dma_wait3A_77 = tpu.memref_squeeze %dma_wait3A_76 : memref<1x48xf32, #tpu.memory_space<hbm>> -> memref<48xf32, #tpu.memory_space<hbm>>
      %dma_wait3A_78 = arith.constant 0 : i32
      %dma_wait3A_79 = tpu.memref_slice %arg4[%add3A, %dma_wait3A_78] : memref<32x48xf32, #tpu.memory_space<hbm>> -> memref<1x48xf32, #tpu.memory_space<hbm>>
      %dma_wait3A_80 = tpu.memref_squeeze %dma_wait3A_79 : memref<1x48xf32, #tpu.memory_space<hbm>> -> memref<48xf32, #tpu.memory_space<hbm>>
      tpu.wait_dma2 semaphore(%run_scoped3A : memref<!tpu.dma_semaphore, #tpu.memory_space<semaphore_mem>>) src(%arg7 : memref<48xf32, #tpu.memory_space<vmem>>) dst(%dma_wait3A_80 : memref<48xf32, #tpu.memory_space<hbm>>)
      tpu.yield
    }) : () -> ()
    return
  }
}

module attributes {stable_mosaic.version = 14 : i64} {
  func.func @_tc_body(%arg0: i32, %arg1: i32, %arg2: memref<8x8192xf32, #tpu.memory_space<vmem>>, %arg3: memref<8x8192xf32, #tpu.memory_space<vmem>>, %arg4: memref<3xf32, #tpu.memory_space<smem>>, %arg5: memref<3x8x128xf32, #tpu.memory_space<vmem>>) attributes {dimension_semantics = [#tpu.dimension_semantics<arbitrary>, #tpu.dimension_semantics<arbitrary>], iteration_bounds = array<i64: 6, 4>, scalar_prefetch = 0 : i64, scratch_operands = 1 : i64, tpu.core_type = #tpu.core_type<tc>, window_params = [{transform_indices = @transform_0, window_bounds = array<i64: 8, 8192>}, {transform_indices = @transform_1, window_bounds = array<i64: 8, 8192>}, {transform_indices = @transform_2, window_bounds = array<i64: 3>}]} {
    %broadcast_in_dim3A = arith.constant 0.000000e+00 : f32
    %broadcast_in_dim3A_0 = vector.broadcast %broadcast_in_dim3A : f32 to vector<8x128xf32>
    %scan3A = arith.constant 0 : i32
    %scan3A_1 = arith.constant 16 : i32
    %scan3A_2 = arith.addi %scan3A, %scan3A_1 : i32
    %scan3A_3 = arith.constant 1 : i32
    %scan3A_4:12 = scf.for %scan3A_30 = %scan3A to %scan3A_2 step %scan3A_3 iter_args(%scan3A_31 = %broadcast_in_dim3A_0, %scan3A_32 = %broadcast_in_dim3A_0, %scan3A_33 = %broadcast_in_dim3A_0, %scan3A_34 = %broadcast_in_dim3A_0, %scan3A_35 = %broadcast_in_dim3A_0, %scan3A_36 = %broadcast_in_dim3A_0, %scan3A_37 = %broadcast_in_dim3A_0, %scan3A_38 = %broadcast_in_dim3A_0, %scan3A_39 = %broadcast_in_dim3A_0, %scan3A_40 = %broadcast_in_dim3A_0, %scan3A_41 = %broadcast_in_dim3A_0, %scan3A_42 = %broadcast_in_dim3A_0) -> (vector<8x128xf32>, vector<8x128xf32>, vector<8x128xf32>, vector<8x128xf32>, vector<8x128xf32>, vector<8x128xf32>, vector<8x128xf32>, vector<8x128xf32>, vector<8x128xf32>, vector<8x128xf32>, vector<8x128xf32>, vector<8x128xf32>)  : i32 {
      %mul3A = arith.constant 512 : i32
      %mul3A_43 = arith.muli %scan3A_30, %mul3A : i32
      %add3A_44 = arith.constant 0 : i32
      %add3A_45 = arith.addi %mul3A_43, %add3A_44 : i32
      %get3A = arith.constant 0 : index
      %get3A_46 = arith.index_cast %add3A_45 : i32 to index
      %get3A_47 = vector.load %arg2[%get3A, %get3A_46] : memref<8x8192xf32, #tpu.memory_space<vmem>>, vector<8x128xf32>
      %add3A_48 = arith.constant 0 : i32
      %add3A_49 = arith.addi %mul3A_43, %add3A_48 : i32
      %get3A_50 = arith.constant 0 : index
      %get3A_51 = arith.index_cast %add3A_49 : i32 to index
      %get3A_52 = vector.load %arg3[%get3A_50, %get3A_51] : memref<8x8192xf32, #tpu.memory_space<vmem>>, vector<8x128xf32>
      %sub3A = arith.subf %get3A_47, %get3A_52 : vector<8x128xf32>
      %mul3A_53 = arith.mulf %sub3A, %sub3A : vector<8x128xf32>
      %mul3A_54 = arith.mulf %mul3A_53, %get3A_52 : vector<8x128xf32>
      %add3A_55 = arith.addf %scan3A_31, %mul3A_54 : vector<8x128xf32>
      %add3A_56 = arith.addf %scan3A_35, %mul3A_53 : vector<8x128xf32>
      %add3A_57 = arith.addf %scan3A_39, %get3A_52 : vector<8x128xf32>
      %add3A_58 = arith.constant 128 : i32
      %add3A_59 = arith.addi %mul3A_43, %add3A_58 : i32
      %get3A_60 = arith.constant 0 : index
      %get3A_61 = arith.index_cast %add3A_59 : i32 to index
      %get3A_62 = vector.load %arg2[%get3A_60, %get3A_61] : memref<8x8192xf32, #tpu.memory_space<vmem>>, vector<8x128xf32>
      %add3A_63 = arith.constant 128 : i32
      %add3A_64 = arith.addi %mul3A_43, %add3A_63 : i32
      %get3A_65 = arith.constant 0 : index
      %get3A_66 = arith.index_cast %add3A_64 : i32 to index
      %get3A_67 = vector.load %arg3[%get3A_65, %get3A_66] : memref<8x8192xf32, #tpu.memory_space<vmem>>, vector<8x128xf32>
      %sub3A_68 = arith.subf %get3A_62, %get3A_67 : vector<8x128xf32>
      %mul3A_69 = arith.mulf %sub3A_68, %sub3A_68 : vector<8x128xf32>
      %mul3A_70 = arith.mulf %mul3A_69, %get3A_67 : vector<8x128xf32>
      %add3A_71 = arith.addf %scan3A_32, %mul3A_70 : vector<8x128xf32>
      %add3A_72 = arith.addf %scan3A_36, %mul3A_69 : vector<8x128xf32>
      %add3A_73 = arith.addf %scan3A_40, %get3A_67 : vector<8x128xf32>
      %add3A_74 = arith.constant 256 : i32
      %add3A_75 = arith.addi %mul3A_43, %add3A_74 : i32
      %get3A_76 = arith.constant 0 : index
      %get3A_77 = arith.index_cast %add3A_75 : i32 to index
      %get3A_78 = vector.load %arg2[%get3A_76, %get3A_77] : memref<8x8192xf32, #tpu.memory_space<vmem>>, vector<8x128xf32>
      %add3A_79 = arith.constant 256 : i32
      %add3A_80 = arith.addi %mul3A_43, %add3A_79 : i32
      %get3A_81 = arith.constant 0 : index
      %get3A_82 = arith.index_cast %add3A_80 : i32 to index
      %get3A_83 = vector.load %arg3[%get3A_81, %get3A_82] : memref<8x8192xf32, #tpu.memory_space<vmem>>, vector<8x128xf32>
      %sub3A_84 = arith.subf %get3A_78, %get3A_83 : vector<8x128xf32>
      %mul3A_85 = arith.mulf %sub3A_84, %sub3A_84 : vector<8x128xf32>
      %mul3A_86 = arith.mulf %mul3A_85, %get3A_83 : vector<8x128xf32>
      %add3A_87 = arith.addf %scan3A_33, %mul3A_86 : vector<8x128xf32>
      %add3A_88 = arith.addf %scan3A_37, %mul3A_85 : vector<8x128xf32>
      %add3A_89 = arith.addf %scan3A_41, %get3A_83 : vector<8x128xf32>
      %add3A_90 = arith.constant 384 : i32
      %add3A_91 = arith.addi %mul3A_43, %add3A_90 : i32
      %get3A_92 = arith.constant 0 : index
      %get3A_93 = arith.index_cast %add3A_91 : i32 to index
      %get3A_94 = vector.load %arg2[%get3A_92, %get3A_93] : memref<8x8192xf32, #tpu.memory_space<vmem>>, vector<8x128xf32>
      %add3A_95 = arith.constant 384 : i32
      %add3A_96 = arith.addi %mul3A_43, %add3A_95 : i32
      %get3A_97 = arith.constant 0 : index
      %get3A_98 = arith.index_cast %add3A_96 : i32 to index
      %get3A_99 = vector.load %arg3[%get3A_97, %get3A_98] : memref<8x8192xf32, #tpu.memory_space<vmem>>, vector<8x128xf32>
      %sub3A_100 = arith.subf %get3A_94, %get3A_99 : vector<8x128xf32>
      %mul3A_101 = arith.mulf %sub3A_100, %sub3A_100 : vector<8x128xf32>
      %mul3A_102 = arith.mulf %mul3A_101, %get3A_99 : vector<8x128xf32>
      %add3A_103 = arith.addf %scan3A_34, %mul3A_102 : vector<8x128xf32>
      %add3A_104 = arith.addf %scan3A_38, %mul3A_101 : vector<8x128xf32>
      %add3A_105 = arith.addf %scan3A_42, %get3A_99 : vector<8x128xf32>
      scf.yield %add3A_55, %add3A_71, %add3A_87, %add3A_103, %add3A_56, %add3A_72, %add3A_88, %add3A_104, %add3A_57, %add3A_73, %add3A_89, %add3A_105 : vector<8x128xf32>, vector<8x128xf32>, vector<8x128xf32>, vector<8x128xf32>, vector<8x128xf32>, vector<8x128xf32>, vector<8x128xf32>, vector<8x128xf32>, vector<8x128xf32>, vector<8x128xf32>, vector<8x128xf32>, vector<8x128xf32>
    }
    %scan3A_5 = arith.constant 16 : i32
    %add3A = arith.addf %scan3A_4#0, %scan3A_4#1 : vector<8x128xf32>
    %add3A_6 = arith.addf %add3A, %scan3A_4#2 : vector<8x128xf32>
    %add3A_7 = arith.addf %add3A_6, %scan3A_4#3 : vector<8x128xf32>
    %add3A_8 = arith.addf %scan3A_4#4, %scan3A_4#5 : vector<8x128xf32>
    %add3A_9 = arith.addf %add3A_8, %scan3A_4#6 : vector<8x128xf32>
    %add3A_10 = arith.addf %add3A_9, %scan3A_4#7 : vector<8x128xf32>
    %add3A_11 = arith.addf %scan3A_4#8, %scan3A_4#9 : vector<8x128xf32>
    %add3A_12 = arith.addf %add3A_11, %scan3A_4#10 : vector<8x128xf32>
    %add3A_13 = arith.addf %add3A_12, %scan3A_4#11 : vector<8x128xf32>
    %eq3A = arith.constant 0 : i32
    %eq3A_14 = arith.cmpi eq, %arg0, %eq3A : i32
    %eq3A_15 = arith.constant 0 : i32
    %eq3A_16 = arith.cmpi eq, %arg1, %eq3A_15 : i32
    %and3A = arith.andi %eq3A_14, %eq3A_16 : i1
    %eq3A_17 = arith.constant 5 : i32
    %eq3A_18 = arith.cmpi eq, %arg0, %eq3A_17 : i32
    %eq3A_19 = arith.constant 3 : i32
    %eq3A_20 = arith.cmpi eq, %arg1, %eq3A_19 : i32
    %and3A_21 = arith.andi %eq3A_18, %eq3A_20 : i1
    %convert_element_type3A = arith.extui %and3A : i1 to i32
    %cond3A = arith.constant 0 : i32
    %cond3A_22 = arith.cmpi ne, %convert_element_type3A, %cond3A : i32
    scf.if %cond3A_22 {
      %swap3A = arith.constant 0 : index
      %swap3A_30 = arith.constant 0 : index
      %swap3A_31 = arith.constant 0 : index
      %swap3A_32 = vector.load %arg5[%swap3A, %swap3A_30, %swap3A_31] : memref<3x8x128xf32, #tpu.memory_space<vmem>>, vector<1x8x128xf32>
      %swap3A_33 = vector.shape_cast %swap3A_32 : vector<1x8x128xf32> to vector<8x128xf32>
      %swap3A_34 = vector.shape_cast %add3A_7 : vector<8x128xf32> to vector<1x8x128xf32>
      tpu.vector_store %arg5[%swap3A, %swap3A_30, %swap3A_31], %swap3A_34 {strides = array<i32>} : memref<3x8x128xf32, #tpu.memory_space<vmem>>, vector<1x8x128xf32>,
      %swap3A_35 = arith.constant 1 : index
      %swap3A_36 = arith.constant 0 : index
      %swap3A_37 = arith.constant 0 : index
      %swap3A_38 = vector.load %arg5[%swap3A_35, %swap3A_36, %swap3A_37] : memref<3x8x128xf32, #tpu.memory_space<vmem>>, vector<1x8x128xf32>
      %swap3A_39 = vector.shape_cast %swap3A_38 : vector<1x8x128xf32> to vector<8x128xf32>
      %swap3A_40 = vector.shape_cast %add3A_10 : vector<8x128xf32> to vector<1x8x128xf32>
      tpu.vector_store %arg5[%swap3A_35, %swap3A_36, %swap3A_37], %swap3A_40 {strides = array<i32>} : memref<3x8x128xf32, #tpu.memory_space<vmem>>, vector<1x8x128xf32>,
      %swap3A_41 = arith.constant 2 : index
      %swap3A_42 = arith.constant 0 : index
      %swap3A_43 = arith.constant 0 : index
      %swap3A_44 = vector.load %arg5[%swap3A_41, %swap3A_42, %swap3A_43] : memref<3x8x128xf32, #tpu.memory_space<vmem>>, vector<1x8x128xf32>
      %swap3A_45 = vector.shape_cast %swap3A_44 : vector<1x8x128xf32> to vector<8x128xf32>
      %swap3A_46 = vector.shape_cast %add3A_13 : vector<8x128xf32> to vector<1x8x128xf32>
      tpu.vector_store %arg5[%swap3A_41, %swap3A_42, %swap3A_43], %swap3A_46 {strides = array<i32>} : memref<3x8x128xf32, #tpu.memory_space<vmem>>, vector<1x8x128xf32>,
    } else {
    }
    %not3A = arith.constant true
    %not3A_23 = arith.xori %and3A, %not3A : i1
    %convert_element_type3A_24 = arith.extui %not3A_23 : i1 to i32
    %cond3A_25 = arith.constant 0 : i32
    %cond3A_26 = arith.cmpi ne, %convert_element_type3A_24, %cond3A_25 : i32
    scf.if %cond3A_26 {
      %get3A = arith.constant 0 : index
      %get3A_30 = arith.constant 0 : index
      %get3A_31 = arith.constant 0 : index
      %get3A_32 = vector.load %arg5[%get3A, %get3A_30, %get3A_31] : memref<3x8x128xf32, #tpu.memory_space<vmem>>, vector<1x8x128xf32>
      %get3A_33 = vector.shape_cast %get3A_32 : vector<1x8x128xf32> to vector<8x128xf32>
      %add3A_34 = arith.addf %get3A_33, %add3A_7 : vector<8x128xf32>
      %swap3A = arith.constant 0 : index
      %swap3A_35 = arith.constant 0 : index
      %swap3A_36 = arith.constant 0 : index
      %swap3A_37 = vector.load %arg5[%swap3A, %swap3A_35, %swap3A_36] : memref<3x8x128xf32, #tpu.memory_space<vmem>>, vector<1x8x128xf32>
      %swap3A_38 = vector.shape_cast %swap3A_37 : vector<1x8x128xf32> to vector<8x128xf32>
      %swap3A_39 = vector.shape_cast %add3A_34 : vector<8x128xf32> to vector<1x8x128xf32>
      tpu.vector_store %arg5[%swap3A, %swap3A_35, %swap3A_36], %swap3A_39 {strides = array<i32>} : memref<3x8x128xf32, #tpu.memory_space<vmem>>, vector<1x8x128xf32>,
      %get3A_40 = arith.constant 1 : index
      %get3A_41 = arith.constant 0 : index
      %get3A_42 = arith.constant 0 : index
      %get3A_43 = vector.load %arg5[%get3A_40, %get3A_41, %get3A_42] : memref<3x8x128xf32, #tpu.memory_space<vmem>>, vector<1x8x128xf32>
      %get3A_44 = vector.shape_cast %get3A_43 : vector<1x8x128xf32> to vector<8x128xf32>
      %add3A_45 = arith.addf %get3A_44, %add3A_10 : vector<8x128xf32>
      %swap3A_46 = arith.constant 1 : index
      %swap3A_47 = arith.constant 0 : index
      %swap3A_48 = arith.constant 0 : index
      %swap3A_49 = vector.load %arg5[%swap3A_46, %swap3A_47, %swap3A_48] : memref<3x8x128xf32, #tpu.memory_space<vmem>>, vector<1x8x128xf32>
      %swap3A_50 = vector.shape_cast %swap3A_49 : vector<1x8x128xf32> to vector<8x128xf32>
      %swap3A_51 = vector.shape_cast %add3A_45 : vector<8x128xf32> to vector<1x8x128xf32>
      tpu.vector_store %arg5[%swap3A_46, %swap3A_47, %swap3A_48], %swap3A_51 {strides = array<i32>} : memref<3x8x128xf32, #tpu.memory_space<vmem>>, vector<1x8x128xf32>,
      %get3A_52 = arith.constant 2 : index
      %get3A_53 = arith.constant 0 : index
      %get3A_54 = arith.constant 0 : index
      %get3A_55 = vector.load %arg5[%get3A_52, %get3A_53, %get3A_54] : memref<3x8x128xf32, #tpu.memory_space<vmem>>, vector<1x8x128xf32>
      %get3A_56 = vector.shape_cast %get3A_55 : vector<1x8x128xf32> to vector<8x128xf32>
      %add3A_57 = arith.addf %get3A_56, %add3A_13 : vector<8x128xf32>
      %swap3A_58 = arith.constant 2 : index
      %swap3A_59 = arith.constant 0 : index
      %swap3A_60 = arith.constant 0 : index
      %swap3A_61 = vector.load %arg5[%swap3A_58, %swap3A_59, %swap3A_60] : memref<3x8x128xf32, #tpu.memory_space<vmem>>, vector<1x8x128xf32>
      %swap3A_62 = vector.shape_cast %swap3A_61 : vector<1x8x128xf32> to vector<8x128xf32>
      %swap3A_63 = vector.shape_cast %add3A_57 : vector<8x128xf32> to vector<1x8x128xf32>
      tpu.vector_store %arg5[%swap3A_58, %swap3A_59, %swap3A_60], %swap3A_63 {strides = array<i32>} : memref<3x8x128xf32, #tpu.memory_space<vmem>>, vector<1x8x128xf32>,
    } else {
    }
    %convert_element_type3A_27 = arith.extui %and3A_21 : i1 to i32
    %cond3A_28 = arith.constant 0 : i32
    %cond3A_29 = arith.cmpi ne, %convert_element_type3A_27, %cond3A_28 : i32
    scf.if %cond3A_29 {
      %get3A = arith.constant 0 : index
      %get3A_30 = arith.constant 0 : index
      %get3A_31 = arith.constant 0 : index
      %get3A_32 = vector.load %arg5[%get3A, %get3A_30, %get3A_31] : memref<3x8x128xf32, #tpu.memory_space<vmem>>, vector<1x8x128xf32>
      %get3A_33 = vector.shape_cast %get3A_32 : vector<1x8x128xf32> to vector<8x128xf32>
      %reduce_sum3A = vector.shape_cast %get3A_33 : vector<8x128xf32> to vector<1x8x128xf32>
      %reduce_sum3A_34 = arith.constant dense<0.000000e+00> : vector<1xf32>
      %reduce_sum3A_35 = vector.multi_reduction <add>, %reduce_sum3A, %reduce_sum3A_34 [1, 2] : vector<1x8x128xf32> to vector<1xf32>
      %reduce_sum3A_36 = vector.shape_cast %reduce_sum3A_35 : vector<1xf32> to vector<1x1x1xf32>
      %reduce_sum3A_37 = vector.extract %reduce_sum3A_36[0, 0, 0] : f32 from vector<1x1x1xf32>
      %swap3A = arith.constant 0 : index
      %swap3A_38 = memref.load %arg4[%swap3A] : memref<3xf32, #tpu.memory_space<smem>>
      memref.store %reduce_sum3A_37, %arg4[%swap3A] : memref<3xf32, #tpu.memory_space<smem>>
      %get3A_39 = arith.constant 1 : index
      %get3A_40 = arith.constant 0 : index
      %get3A_41 = arith.constant 0 : index
      %get3A_42 = vector.load %arg5[%get3A_39, %get3A_40, %get3A_41] : memref<3x8x128xf32, #tpu.memory_space<vmem>>, vector<1x8x128xf32>
      %get3A_43 = vector.shape_cast %get3A_42 : vector<1x8x128xf32> to vector<8x128xf32>
      %reduce_sum3A_44 = vector.shape_cast %get3A_43 : vector<8x128xf32> to vector<1x8x128xf32>
      %reduce_sum3A_45 = arith.constant dense<0.000000e+00> : vector<1xf32>
      %reduce_sum3A_46 = vector.multi_reduction <add>, %reduce_sum3A_44, %reduce_sum3A_45 [1, 2] : vector<1x8x128xf32> to vector<1xf32>
      %reduce_sum3A_47 = vector.shape_cast %reduce_sum3A_46 : vector<1xf32> to vector<1x1x1xf32>
      %reduce_sum3A_48 = vector.extract %reduce_sum3A_47[0, 0, 0] : f32 from vector<1x1x1xf32>
      %swap3A_49 = arith.constant 1 : index
      %swap3A_50 = memref.load %arg4[%swap3A_49] : memref<3xf32, #tpu.memory_space<smem>>
      memref.store %reduce_sum3A_48, %arg4[%swap3A_49] : memref<3xf32, #tpu.memory_space<smem>>
      %get3A_51 = arith.constant 2 : index
      %get3A_52 = arith.constant 0 : index
      %get3A_53 = arith.constant 0 : index
      %get3A_54 = vector.load %arg5[%get3A_51, %get3A_52, %get3A_53] : memref<3x8x128xf32, #tpu.memory_space<vmem>>, vector<1x8x128xf32>
      %get3A_55 = vector.shape_cast %get3A_54 : vector<1x8x128xf32> to vector<8x128xf32>
      %reduce_sum3A_56 = vector.shape_cast %get3A_55 : vector<8x128xf32> to vector<1x8x128xf32>
      %reduce_sum3A_57 = arith.constant dense<0.000000e+00> : vector<1xf32>
      %reduce_sum3A_58 = vector.multi_reduction <add>, %reduce_sum3A_56, %reduce_sum3A_57 [1, 2] : vector<1x8x128xf32> to vector<1xf32>
      %reduce_sum3A_59 = vector.shape_cast %reduce_sum3A_58 : vector<1xf32> to vector<1x1x1xf32>
      %reduce_sum3A_60 = vector.extract %reduce_sum3A_59[0, 0, 0] : f32 from vector<1x1x1xf32>
      %swap3A_61 = arith.constant 2 : index
      %swap3A_62 = memref.load %arg4[%swap3A_61] : memref<3xf32, #tpu.memory_space<smem>>
      memref.store %reduce_sum3A_60, %arg4[%swap3A_61] : memref<3xf32, #tpu.memory_space<smem>>
    } else {
    }
    return
  }
  func.func @transform_0(%arg0: i32, %arg1: i32) -> (i32, i32) {
    %add3A = arith.constant 2 : i32
    %add3A_0 = arith.addi %add3A, %arg0 : i32
    %c0_i32 = arith.constant 0 : i32
    return %add3A_0, %arg1 : i32, i32
  }
  func.func @transform_1(%arg0: i32, %arg1: i32) -> (i32, i32) {
    %add3A = arith.constant 2 : i32
    %add3A_0 = arith.addi %add3A, %arg0 : i32
    %c0_i32 = arith.constant 0 : i32
    return %add3A_0, %arg1 : i32, i32
  }
  func.func @transform_2(%arg0: i32, %arg1: i32) -> i32 {
    %c0_i32 = arith.constant 0 : i32
    %c0_i32_0 = arith.constant 0 : i32
    return %c0_i32 : i32
  }
}

</mosaic_0001>

<sc_bundles>
// kernel: kernel.4.cloned.1.call-start
scs
__scs_entry_jumppad:
0x0: {  	(pc) =	sbr.rel $0x88, $3  }
0x1: {  	(tag) =	ssettag $0x0;
	lr =	simm.s32 $0x1  }
0x2: {  	[smem:$0x3F9F] =	sst lr;
	_ =	strace $0xD0000000  }
0x3: {  	_ = 	snop  }
0x4: {  	_ = 	snop  }
0x5: {  	_ = 	snop  }
0x6: {  	_ = 	snop  }
0x7: {  	_ = 	snop  }
__scs_overlays_trampoline_lowered:
0x8: {  	[smem:$0x3FAE] =	sst s0  }
0x9: {  	[smem:$0x3FAF] =	sst s1  }
0xa: {  	[smem:$0x3FB0] =	sst s2  }
0xb: {  	[smem:$0x3FB1] =	sst s3  }
0xc: {  	[smem:$0x3FB2] =	sst s4  }
0xd: {  	[smem:$0x3FB3] =	sst s5  }
0xe: {  	[smem:$0x3FB4] =	sst s6  }
0xf: {  	[smem:$0x3FB5] =	sst s7  }
0x10: {  	[smem:$0x3FB6] =	sst s8  }
0x11: {  	[smem:$0x3FB7] =	sst s9;
	s0 =	simm.s32 @!p0 $0x0  }
0x12: {  	s1 =	sld [smem:$0x3F9D];
	s0 =	simm.s32 @p0 $0x1  }
0x13: {  	[smem:$0x3FB8] =	sst s0;
	s0 =	simm.s32 @!p1 $0x0  }
0x14: {  	s2 =	sld [smem:$0x3F9C];
	s0 =	simm.s32 @p1 $0x1  }
0x15: {  	[smem:$0x3FB9] =	sst s0;
	s0 =	simm.s32 @!p2 $0x0  }
0x16: {  	s3 =	sld [smem:$0x3FDB];
	s0 =	simm.s32 @p2 $0x1  }
0x17: {  	s4 =	simm.s32 $0x1BF5;
	[smem:$0x3FBB] =	sst s0  }
0x18: {  	s0 =	sld [smem:$0x3F9E];
	_ =	swait.ge [sflag:s4], $0x0  }
0x19: {  	s7 =	sld [smem:$0x3F9F]  }
0x1a: {  	s8 =	sadd.s32 $0xFFFFE003, lr  }
0x1b: {  	s9 =	sadd.s32 $0xFFFFFEF7, lr;
	s5 =	simm.s32 $0xFFFFFFFF;
	p2 =	slt.u32 s8, $0xFFFFF086  }
0x1c: {  	p1 =	slt.u32 s9, $0xF7A;
	s5 =	simm.s32 @!p2 $0x0  }
0x1d: {  	s5 =	simm.s32 @p1 $0x1;
	p0 =	seq.s32 s7, s2  }
0x1e: {  	s7 =	smul.u32 @!p0 $0xF7A, s2;
	p2 =	seq.s32 @!p0 s5, $0x0  }
0x1f: {  	s9 =	smul.u32 $0xF7A, s1;
	s8 =	simm.s32 @!p0 $0x1BF5;
	p2 =	por !p2, p0  }
0x20: {  	[sflag:s8] =	ssyncset.s32 @!p0 $0xFFFFF086;
	s6 =	sadd.s32 @!p0 s3, s7;
	s7 =	simm.s32 @!p0 $0x108  }
0x21: {  	s3 =	sadd.s32 s3, s9;
	s6 =	sadd.s32 @!p0 $0x88, s6;
	s7 =	simm.s32 @p2 $0x1082  }
0x22: {  	[simem:s7], [sflag:s8] =	dma.local @!p0 [hbm:s6], $0xF7A  }
0x23: {  	s9 =	sor.u32 $0xD0000000, s2;
	s6 =	simm.s32 $0x108;
	_ =	swait.ge @!p0 [sflag:s8], $0x0  }
0x24: {  	s3 =	sadd.s32 $0x88, s3;
	s6 =	simm.s32 @!p1 $0x1082;
	[sflag:s4] =	ssyncset.s32 $0xFFFFF086  }
0x25: {  	[simem:s6], [sflag:s4] =	dma.local [hbm:s3], $0xF7A  }
0x26: {  	[smem:$0x3F9F] =	sst s1;
	(tag) =	ssettag s2;
	_ =	strace s9  }
0x27: {  	s1 =	sld [smem:$0x3FAF]  }
0x28: {  	s2 =	sld [smem:$0x3FB0]  }
0x29: {  	s4 =	sld [smem:$0x3FB2]  }
0x2a: {  	p0 =	seq.s32 s5, $0x0;
	s5 =	sld [smem:$0x3FB3]  }
0x2b: {  	s6 =	sld [smem:$0x3FB4]  }
0x2c: {  	s7 =	sld [smem:$0x3FB5]  }
0x2d: {  	s3 =	simm.s32 $0x108;
	s8 =	sld [smem:$0x3FB6]  }
0x2e: {  	s3 =	simm.s32 @!p0 $0x1082;
	s9 =	sld [smem:$0x3FB7]  }
0x2f: {  	lr =	sadd.s32 s0, s3;
	s0 =	sld [smem:$0x3FAE]  }
0x30: {  	s3 =	sld [smem:$0x3FB1]  }
0x31: {  	[smem:$0x3FBA] =	sst s10  }
0x32: {  	s10 =	sld [smem:$0x3FB8];
	_ =	sdelay $0x3  }
0x33: {  	p0 =	seq.s32 s10, $0x1;
	s10 =	sld [smem:$0x3FBA];
	_ =	sdelay $0x3  }
0x34: {  	[smem:$0x3FBA] =	sst s10  }
0x35: {  	s10 =	sld [smem:$0x3FB9];
	_ =	sdelay $0x3  }
0x36: {  	p1 =	seq.s32 s10, $0x1;
	s10 =	sld [smem:$0x3FBA];
	_ =	sdelay $0x3  }
0x37: {  	[smem:$0x3FBA] =	sst s10  }
0x38: {  	s10 =	sld [smem:$0x3FBB]  }
0x39: {  	_ = 	snop;
	(pc) =	sbr.ind lr, $3  }
0x3a: {  	_ = 	snop  }
0x3b: {  	_ = 	snop  }
0x3c: {  	p2 =	seq.s32 s10, $0x1;
	s10 =	sld [smem:$0x3FBA]  }
0x3d: {  	_ =	shalt  }
0x3e: {  	_ =	shalt  }
0x3f: {  	_ =	shalt  }
0x40: {  	_ =	shalt  }
0x41: {  	_ =	shalt  }
0x42: {  	_ =	shalt  }
0x43: {  	_ =	shalt  }
0x44: {  	_ =	shalt  }
0x45: {  	_ =	shalt  }
0x46: {  	_ =	shalt  }
0x47: {  	_ =	shalt  }
0x48: {  	_ =	shalt  }
0x49: {  	_ =	shalt  }
0x4a: {  	_ =	shalt  }
0x4b: {  	_ =	shalt  }
0x4c: {  	_ =	shalt  }
0x4d: {  	_ =	shalt  }
0x4e: {  	_ =	shalt  }
0x4f: {  	_ =	shalt  }
0x50: {  	_ =	shalt  }
0x51: {  	_ =	shalt  }
0x52: {  	_ =	shalt  }
0x53: {  	_ =	shalt  }
0x54: {  	_ =	shalt  }
0x55: {  	_ =	shalt  }
0x56: {  	_ =	shalt  }
0x57: {  	_ =	shalt  }
0x58: {  	_ =	shalt  }
0x59: {  	_ =	shalt  }
0x5a: {  	_ =	shalt  }
0x5b: {  	_ =	shalt  }
0x5c: {  	_ =	shalt  }
0x5d: {  	_ =	shalt  }
0x5e: {  	_ =	shalt  }
0x5f: {  	_ =	shalt  }
0x60: {  	_ =	shalt  }
0x61: {  	_ =	shalt  }
0x62: {  	_ =	shalt  }
0x63: {  	_ =	shalt  }
0x64: {  	_ =	shalt  }
0x65: {  	_ =	shalt  }
0x66: {  	_ =	shalt  }
0x67: {  	_ =	shalt  }
0x68: {  	_ =	shalt  }
0x69: {  	_ =	shalt  }
0x6a: {  	_ =	shalt  }
0x6b: {  	_ =	shalt  }
0x6c: {  	_ =	shalt  }
0x6d: {  	_ =	shalt  }
0x6e: {  	_ =	shalt  }
0x6f: {  	_ =	shalt  }
0x70: {  	_ =	shalt  }
0x71: {  	_ =	shalt  }
0x72: {  	_ =	shalt  }
0x73: {  	_ =	shalt  }
0x74: {  	_ =	shalt  }
0x75: {  	_ =	shalt  }
0x76: {  	_ =	shalt  }
0x77: {  	_ =	shalt  }
0x78: {  	_ =	shalt  }
0x79: {  	_ =	shalt  }
0x7a: {  	_ =	shalt  }
0x7b: {  	_ =	shalt  }
0x7c: {  	_ =	shalt  }
0x7d: {  	_ =	shalt  }
0x7e: {  	_ =	shalt  }
0x7f: {  	_ =	shalt  }
0x80: {  	_ =	shalt  }
0x81: {  	_ =	shalt  }
0x82: {  	_ =	shalt  }
0x83: {  	_ =	shalt  }
0x84: {  	_ =	shalt  }
0x85: {  	_ =	shalt  }
0x86: {  	_ =	shalt  }
0x87: {  	_ =	shalt  }
.Lfunc_end0:
.L_simem_size_0:
called_computation_lowered:
.L_overlay_start_0:
0x88: {  	s2 =	sld [smem:$0x3FD9]  }
0x89: {  	s3 =	sld [smem:$0x3FFE];
	_ =	sdelay $0x1  }
0x8a: {  	s1 =	srdreg.scid  }
0x8b: {  	s0 =	sand.u32 $0x1, s1  }
0x8c: {  	s17 =	sshll.u32 s0, $0xA;
	s2 =	sadd.s32 s3, s2  }
0x8d: {  	s2 =	sadd.s32 s2, s17  }
0x8e: {  	[smem:$0x3FC6] =	sst s2  }
0x8f: {  	_ = 	snop  }
0x90: {  	s2 =	sld [smem:$0x3FC9]  }
0x91: {  	s18 =	sld [smem:$0x3FC8];
	(tm) =	ssettm $0x1  }
0x92: {  	s4 =	sld [smem:$0x3FFB];
	_ =	sdelay $0x3  }
0x93: {  	_ =	strace s4  }
0x94: {  	s4 =	sld [smem:$0x3FFC];
	_ =	sdelay $0x3  }
0x95: {  	_ =	strace s4  }
0x96: {  	s4 =	sld [smem:$0x3FFD];
	_ =	sdelay $0x3  }
0x97: {  	_ =	strace s4  }
0x98: {  	_ =	strace $0x8FFFFFFF  }
0x99: {  	s19 =	sld [smem:$0x3FDB];
	_ =	sdelay $0x1  }
0x9a: {  	s5 =	simm.s32 $_scs_section_size  }
0x9b: {  	s6 =	simm.s32 $_size__tile_overlayer_lowered;
	s7 =	simm.s32 $_tile_overlayer_lowered  }
0x9c: {  	s22 =	simm.s32 $0x1BFF;
	s21 =	sshll.u32 s7, $0x1;
	s4 =	sadd.s32 s5, s19  }
0x9d: {  	s8 =	simm.s32 $0x0;
	s20 =	sshll.u32 s6, $0x1;
	s6 =	sadd.s32 s21, s4  }
0x9e: {  	[timem:s8], [sflag:s22] =	dma.local [hbm:s6], s20  }
0x9f: {  	_ =	swait.ge [sflag:s22], s20  }
0xa0: {  	s5 =	ssub.s32 $0x0, s20;
	[sflag:s22] =	ssyncset.done $0x0  }
0xa1: {  	[sflag:s22] =	ssyncadd.s32 s5;
	_ =	sdelay $0x1  }
0xa2: {  	s23 =	simm.s32 $0x1B8B  }
0xa3: {  	_ =	swait.ge [sflag:s23], $0x1  }
0xa4: {  	[sflag:s23] =	ssyncset.done $0x0  }
0xa5: {  	s25 =	simm.s32 $0x1B8E;
	s24 =	sld [smem:$0x3FFE];
	[sflag:s23] =	ssyncadd.s32 $0xFFFFFFFF  }
0xa6: {  	s26 =	simm.s32 $execute0_lowered;
	[smem:$0x3FD2] =	sst s25  }
0xa7: {  	s6 =	sshll.u32 s26, $0x1;
	_ =	strace $0x80000046;
	[dreg:$0x1] =	wrdreg $0xFFFFFFFF  }
0xa8: {  	s28 =	simm.s32 $_size_execute0_lowered;
	s4 =	sadd.s32 s4, s6;
	[dreg:$0x0] =	wrdreg $0x0  }
0xa9: {  	s6 =	sshll.u32 s28, $0x1;
	[dreg:$0x2] =	wrdreg s4  }
0xaa: {  	[dreg:$0x3] =	wrdreg s6  }
0xab: {  	[dreg:$0x4] =	wrdreg $0xC0  }
0xac: {  	_ =	task [dreg:s8], $0x5FFFF  }
0xad: {  	[dreg:$0x1] =	wrdreg $0xFFFFFFFF  }
0xae: {  	[dreg:$0x0] =	wrdreg $0x60  }
0xaf: {  	[dreg:$0x2] =	wrdreg s2  }
0xb0: {  	[dreg:$0x3] =	wrdreg s18  }
0xb1: {  	[dreg:$0x4] =	wrdreg s24  }
0xb2: {  	[dreg:$0x5] =	wrdreg $0x9  }
0xb3: {  	_ =	task.clear_ibuf [dreg:s8], $0x6FFFF;
	_ =	strace $0x90000046  }
0xb4: {  	s29 =	simm.s32 $0x9;
	_ =	strace $0x80000048  }
0xb5: {  	_ =	swait.ge [sflag:s29], $0x1  }
0xb6: {  	[sflag:s29] =	ssyncadd.s32 $0xFFFFFFFF  }
0xb7: {  	_ =	strace $0x90000048  }
0xb8: {  	_ =	sfence  }
0xb9: {  	s30 =	sld [smem:$0x0];
	_ =	sdelay $0x2  }
0xba: {  	s31 =	sshll.u32 s1, $0xD;
	s1 =	sshrl.u32 s1, $0x2  }
0xbb: {  	s3 =	sand.u32 $0x4000, s31;
	s1 =	sadd.s32 s1, s30  }
0xbc: {  	s0 =	sor.u32 s3, s0;
	s1 =	sshll.u32 s1, $0x11  }
0xbd: {  	s0 =	sor.u32 s1, s0  }
0xbe: {  	s0 =	sadd.s32 $0x8F2B, s0  }
0xbf: {  	[sflag:s0] =	ssyncadd.remote.s32 $0x1  }
0xc0: {  	_ =	sfence.sel $0xFFFF  }
0xc1: {  	[dreg:$0x0] =	wrdreg $0xFFFFFFFF;
	(pc) =	sbr.abs _section_cstart, $3  }
0xc2: {  	[dreg:$0x1] =	wrdreg $0xFFFFFFFF  }
0xc3: {  	_ =	task.clear_ibuf [dreg:s8], $0x2FFFF;
	_ =	strace $0x9FFFFFFF  }
0xc4: {  	(tm) =	ssettm $0x7FFFFFFF  }
0xc5: {  	_ =	shalt  }
tec
execute0_lowered:
.L_overlay_start_1:
0x0: {  	(tag) =	ssettag $0x1  }
0x1: {  	s3 =	rddreg [dreg:$0x0]  }
0x2: {  	s4 =	rddreg [dreg:$0x1]  }
0x3: {  	s5 =	rddreg [dreg:$0x2]  }
0x4: {  	s0 =	rddreg [dreg:$0x3];
	s2 =	simm.s32 $0x0  }
0x5: {  	s6 =	srdreg.scid;
	s1 =	stileid.u32;
	s11 =	simm.s32 $0x8000  }
0x6: {  	s12 =	simm.s32 $0x0;
	[smem:$0x7FF] =	sst s2;
	s7 =	sand.u32 $0x1, s6  }
0x7: {  	s8 =	sshll.u32 s1, $0xF;
	s6 =	sshll.u32 s6, $0x11;
	s9 =	sshll.u32 s1, $0x7  }
0x8: {  	s31 =	sshll.u32 s1, $0x5;
	s8 =	sand.u32 $0x40000, s8;
	s6 =	sand.u32 $0x20000, s6  }
0x9: {  	s10 =	ssub.s32 $0x2, s7;
	s28 =	sand.u32 $0x380, s9;
	_ =	strace $0x80000047  }
0xa: {  	s7 =	sshll.u32 s7, $0x4;
	s9 =	simm.s32 $0x1;
	s6 =	sor.u32 s6, s8  }
0xb: {  	s29 =	sshrl.u32 s10, $0x1;
	s5 =	sadd.s32 s5, s7;
	s7 =	simm.s32 $0x80  }
0xc: {  	s8 =	simm.s32 $0x400;
	s6 =	sor.u32 s28, s6;
	s30 =	ssub.s32 s10, s29  }
0xd: {  	s5 =	sadd.s32 s31, s5;
	s10 =	simm.s32 $0x4000;
	s6 =	sshrl.u32 s6, $0x3  }
0xe: {  	s3 =	sadd.s32 s3, s6;
	s4 =	sadd.s32 s4, s6;
	s6 =	smax.u32 s30, $0x1  }
.LBB2_1:
0xf: {  	[tilespmem:s2], [sflag:$0x1] =	stream.strided.gather [hbm4b:s3+s7], $0x4000, s8, s7, $0x38;
	[tilespmem:$0x8080] =	vst v63  }
0x10: {  	_ =	swait.ge [sflag:s9], $0x4000  }
0x11: {  	[sflag:s9] =	ssyncset.done $0x0  }
0x12: {  	[sflag:s9] =	ssyncadd.s32 $0xFFFFC000  }
0x13: {  	[tilespmem:s10], [sflag:$0x1] =	stream.strided.gather [hbm4b:s4+s7], $0x4000, s8, s7, $0x38;
	[tilespmem:$0x8080] =	vst v63  }
0x14: {  	_ =	swait.ge [sflag:s9], $0x4000  }
0x15: {  	[sflag:s9] =	ssyncset.done $0x0  }
0x16: {  	s14 =	simm.s32 $0x0;
	[sflag:s9] =	ssyncadd.s32 $0xFFFFC000  }
0x17: {  	v0 =	vld [tilespmem:s14+$0x4070]  }
0x18: {  	v1 =	vld [tilespmem:s14+$0x70]  }
0x19: {  	v5 =	vld [tilespmem:s14+$0x4050]  }
0x1a: {  	v2 =	vld [tilespmem:s14+$0x4040]  }
0x1b: {  	v3 =	vld [tilespmem:s14+$0x20]  }
0x1c: {  	v4 =	vld [tilespmem:s14+$0x50]  }
0x1d: {  	v6 =	vld [tilespmem:s14+$0x40]  }
0x1e: {  	v26 =	vld [tilespmem:s14+$0x4060]  }
0x1f: {  	v7 =	vld [tilespmem:s14+$0x60]  }
0x20: {  	v10 =	vld [tilespmem:s14+$0x4000]  }
0x21: {  	v16 =	vld [tilespmem:s14+$0x4030]  }
0x22: {  	v11 =	vld [tilespmem:s14+$0x0]  }
0x23: {  	v15 =	vld [tilespmem:s14+$0x4020]  }
0x24: {  	v8 =	vimm.f32 $0.0e+00;
	v12 =	vld [tilespmem:s14+$0x30];
	v1 =	vsub.f32 v1, v0  }
0x25: {  	v17 =	vadd.f32 v5, v8;
	v4 =	vsub.f32 v4, v5  }
0x26: {  	v21 =	vadd.f32 v2, v8;
	v22 =	vadd.f32 v0, v8  }
0x27: {  	s13 =	simm.s32 $0x80;
	v18 =	vld [tilespmem:s14+$0x10];
	v19 =	vsub.f32 v7, v26;
	v13 =	vadd.f32 v26, v8;
	v1 =	vmul.f32 v1, v1  }
0x28: {  	v33 =	vld [tilespmem:s13+$0x40];
	v7 =	vsub.f32 v11, v10;
	v3 =	vsub.f32 v3, v15;
	v29 =	vmul.f32 v4, v4  }
0x29: {  	v4 =	vsub.f32 v12, v16;
	v9 =	vmul.f32 v1, v0;
	v0 =	vsub.f32 v6, v2;
	v6 =	vld [tilespmem:s13+$0x4070]  }
0x2a: {  	v30 =	vmul.f32 v7, v7;
	v7 =	vmul.f32 v3, v3;
	v28 =	vadd.f32 v1, v8;
	v1 =	vld [tilespmem:s13+$0x70]  }
0x2b: {  	v14 =	vadd.f32 v15, v8;
	v11 =	vadd.f32 v10, v8;
	v3 =	vld [tilespmem:s13+$0x4040];
	v36 =	vmul.f32 v19, v19  }
0x2c: {  	v25 =	vld [tilespmem:s13+$0x50];
	v4 =	vmul.f32 v4, v4;
	v20 =	vmul.f32 v30, v10;
	v12 =	vadd.f32 v7, v8  }
0x2d: {  	v10 =	vmul.f32 v7, v15;
	v40 =	vmul.f32 v29, v5;
	v27 =	vadd.f32 v9, v8;
	v9 =	vld [tilespmem:s14+$0x4010]  }
0x2e: {  	v15 =	vadd.f32 v16, v8;
	v35 =	vmul.f32 v36, v26;
	v23 =	vmul.f32 v0, v0;
	v0 =	vld [tilespmem:s13+$0x4050]  }
0x2f: {  	v24 =	vld [tilespmem:s13+$0x20];
	v26 =	vimm.f32 $0.0e+00;
	v16 =	vmul.f32 v4, v16;
	v32 =	vsub.f32 v1, v6  }
0x30: {  	v39 =	vld [tilespmem:s13+$0x60];
	v45 =	vsub.f32 v33, v3;
	v19 =	vadd.f32 v23, v8;
	v41 =	vmul.f32 v23, v2  }
0x31: {  	v43 =	vld [tilespmem:s13+$0x0];
	v2 =	vadd.f32 v6, v22;
	v22 =	vadd.f32 v30, v8;
	v32 =	vmul.f32 v32, v32  }
0x32: {  	v44 =	vld [tilespmem:s13+$0x30];
	v33 =	vimm.f32 $0.0e+00;
	v31 =	vsub.f32 v18, v9;
	v18 =	vadd.f32 v4, v8  }
0x33: {  	v7 =	vld [tilespmem:s13+$0x4060];
	v1 =	vadd.f32 v0, v17;
	v17 =	vadd.f32 v9, v8;
	v34 =	vmul.f32 v32, v6  }
0x34: {  	v30 =	vimm.f32 $0.0e+00;
	v37 =	vsub.f32 v25, v0;
	v4 =	vadd.f32 v3, v21;
	v25 =	vld [tilespmem:s13+$0x4000]  }
0x35: {  	v21 =	vadd.f32 v29, v8;
	v29 =	vimm.f32 $0.0e+00;
	v6 =	vadd.f32 v34, v27;
	v34 =	vld [tilespmem:s13+$0x4020]  }
0x36: {  	v23 =	vld [tilespmem:s13+$0x4030];
	v5 =	vadd.f32 v32, v28;
	v38 =	vmul.f32 v31, v31;
	v32 =	vimm.f32 $0.0e+00  }
0x37: {  	v42 =	vld [tilespmem:s13+$0x10];
	s14 =	simm.s32 $0x400;
	v31 =	vimm.f32 $0.0e+00;
	v28 =	vimm.f32 $0.0e+00;
	v27 =	vimm.f32 $0.0e+00  }
.LBB2_2:
0x38: {  	p0 =	sne.s32 s14, $0xFE00;
	v46 =	vsub.f32 v39, v7;
	v13 =	vadd.f32 v7, v13;
	v47 =	vmul.f32 v38, v9;
	v9 =	vld [tilespmem:s13+$0x4010];
	s13 =	sshra.s32 s14, $0x2;
	s14 =	sadd.s32 $0x200, s14  }
0x39: {  	v8 =	vadd.f32 v41, v8;
	v48 =	vld [tilespmem:s13+$0x4070];
	v39 =	vsub.f32 v43, v25;
	v45 =	vmul.f32 v45, v45  }
0x3a: {  	v49 =	vmul.f32 v37, v37;
	v33 =	vadd.f32 v36, v33;
	v41 =	vld [tilespmem:s13+$0x70];
	v24 =	vsub.f32 v24, v34  }
0x3b: {  	v32 =	vadd.f32 v40, v32;
	v50 =	vld [tilespmem:s13+$0x4050];
	v51 =	vmul.f32 v39, v39;
	v36 =	vsub.f32 v44, v23  }
0x3c: {  	v31 =	vadd.f32 v20, v31;
	v14 =	vadd.f32 v34, v14;
	v40 =	vld [tilespmem:s13+$0x4040];
	v37 =	vmul.f32 v24, v24  }
0x3d: {  	v30 =	vadd.f32 v38, v30;
	v24 =	vld [tilespmem:s13+$0x20];
	v20 =	vmul.f32 v51, v25;
	v42 =	vsub.f32 v42, v9  }
0x3e: {  	v11 =	vadd.f32 v25, v11;
	v25 =	vmul.f32 v36, v36;
	v38 =	vld [tilespmem:s13+$0x50];
	v12 =	vadd.f32 v37, v12  }
0x3f: {  	v15 =	vadd.f32 v23, v15;
	v34 =	vmul.f32 v37, v34;
	v52 =	vld [tilespmem:s13+$0x40];
	v36 =	vsub.f32 v41, v48  }
0x40: {  	v28 =	vadd.f32 v16, v28;
	v18 =	vadd.f32 v25, v18;
	v16 =	vmul.f32 v25, v23;
	v53 =	vld [tilespmem:s13+$0x4060]  }
0x41: {  	v29 =	vadd.f32 v35, v29;
	v1 =	vadd.f32 v50, v1;
	v39 =	vld [tilespmem:s13+$0x60];
	v54 =	vmul.f32 v36, v36  }
0x42: {  	v26 =	vadd.f32 v10, v26;
	v17 =	vadd.f32 v9, v17;
	v10 =	vmovc v34;
	v36 =	vmul.f32 v46, v46;
	v25 =	vld [tilespmem:s13+$0x4000]  }
.Ltmp0:
0x43: {  	v19 =	vadd.f32 v45, v19;
	v23 =	vld [tilespmem:s13+$0x4030];
	v37 =	vsub.f32 v38, v50;
	v35 =	vmul.f32 v54, v48;
	(pc) =	sbr.rel @p0 .LBB2_2-.Ltmp0, $4  }
0x44: {  	v27 =	vadd.f32 v47, v27;
	v41 =	vmul.f32 v45, v3;
	v4 =	vadd.f32 v40, v4;
	v3 =	vmovc v40;
	v43 =	vld [tilespmem:s13+$0x0]  }
0x45: {  	v21 =	vadd.f32 v49, v21;
	v2 =	vadd.f32 v48, v2;
	v40 =	vmul.f32 v49, v0;
	v0 =	vmovc v50;
	v34 =	vld [tilespmem:s13+$0x4020]  }
0x46: {  	v5 =	vadd.f32 v54, v5;
	v38 =	vmul.f32 v42, v42;
	v6 =	vadd.f32 v35, v6;
	v44 =	vld [tilespmem:s13+$0x30]  }
0x47: {  	v22 =	vadd.f32 v51, v22;
	v45 =	vsub.f32 v52, v3;
	v35 =	vmul.f32 v36, v7;
	v7 =	vmovc v53;
	v42 =	vld [tilespmem:s13+$0x10]  }
0x48: {  	v39 =	vsub.f32 v39, v7  }
0x49: {  	v13 =	vadd.f32 v7, v13;
	v8 =	vadd.f32 v41, v8  }
0x4a: {  	v33 =	vadd.f32 v36, v33;
	v32 =	vadd.f32 v40, v32  }
0x4b: {  	v46 =	vld [tilespmem:s13+$0x4010];
	v20 =	vadd.f32 v20, v31;
	v30 =	vadd.f32 v38, v30  }
0x4c: {  	v11 =	vadd.f32 v25, v11;
	v15 =	vadd.f32 v23, v15  }
0x4d: {  	v16 =	vadd.f32 v16, v28;
	v10 =	vadd.f32 v10, v26  }
0x4e: {  	v9 =	vmul.f32 v38, v9;
	v43 =	vsub.f32 v43, v25;
	v29 =	vadd.f32 v35, v29  }
0x4f: {  	v37 =	vmul.f32 v37, v37;
	v24 =	vsub.f32 v24, v34;
	v14 =	vadd.f32 v34, v14  }
0x50: {  	v45 =	vmul.f32 v45, v45;
	v9 =	vadd.f32 v9, v27;
	v48 =	vsub.f32 v42, v46  }
0x51: {  	v21 =	vadd.f32 v37, v21;
	v47 =	vsub.f32 v44, v23;
	v49 =	vmul.f32 v43, v43  }
0x52: {  	v19 =	vadd.f32 v45, v19;
	v3 =	vmul.f32 v45, v3;
	v50 =	vmul.f32 v48, v48  }
0x53: {  	v24 =	vmul.f32 v24, v24;
	v51 =	vmul.f32 v49, v25;
	v17 =	vadd.f32 v46, v17  }
0x54: {  	v22 =	vadd.f32 v49, v22;
	v3 =	vadd.f32 v3, v8;
	v52 =	vmul.f32 v50, v46  }
0x55: {  	v36 =	vmul.f32 v47, v47;
	v12 =	vadd.f32 v24, v12;
	v54 =	vadd.f32 v50, v30  }
0x56: {  	v24 =	vmul.f32 v24, v34;
	v20 =	vadd.f32 v51, v20;
	v9 =	vadd.f32 v52, v9  }
0x57: {  	v18 =	vadd.f32 v36, v18;
	v55 =	vadd.f32 v54, v22  }
0x58: {  	v53 =	vmul.f32 v36, v23;
	v10 =	vadd.f32 v24, v10;
	v9 =	vadd.f32 v9, v20  }
0x59: {  	v57 =	vadd.f32 v17, v11;
	v58 =	vadd.f32 v12, v55  }
0x5a: {  	v0 =	vmul.f32 v37, v0;
	v16 =	vadd.f32 v53, v16;
	v9 =	vadd.f32 v10, v9  }
0x5b: {  	v10 =	vadd.f32 v14, v57;
	v8 =	vadd.f32 v18, v58  }
0x5c: {  	v56 =	vmul.f32 v39, v39;
	v0 =	vadd.f32 v0, v32;
	v9 =	vadd.f32 v16, v9  }
0x5d: {  	v60 =	vadd.f32 v15, v10;
	v8 =	vadd.f32 v19, v8  }
0x5e: {  	v59 =	vmul.f32 v56, v7;
	v62 =	vadd.f32 v56, v33;
	v3 =	vadd.f32 v3, v9  }
0x5f: {  	v61 =	vadd.f32 v4, v60;
	v8 =	vadd.f32 v21, v8  }
0x60: {  	v7 =	vadd.f32 v59, v29;
	v0 =	vadd.f32 v0, v3  }
0x61: {  	v1 =	vadd.f32 v1, v61;
	v63 =	vadd.f32 v62, v8  }
0x62: {  	v0 =	vadd.f32 v7, v0  }
0x63: {  	v1 =	vadd.f32 v13, v1;
	v3 =	vadd.f32 v5, v63  }
0x64: {  	v0 =	vadd.f32 v6, v0  }
0x65: {  	s12 =	sadd.s32 $0x1, s12;
	v1 =	vadd.f32 v2, v1;
	[tilespmem:$0x8010] =	vst v3  }
0x66: {  	p0 =	sne.s32 s12, s6;
	[tilespmem:$0x8000] =	vst v0  }
.Ltmp1:
0x67: {  	[tilespmem:$0x8020] =	vst v1;
	(pc) =	sbr.rel @p0 .LBB2_1-.Ltmp1, $4  }
0x68: {  	[hbm4b:s5+s2] =	stream.linear.scatter [tilespmem:s11], [sflag:$0x1], $0x80, $0x38;
	[tilespmem:$0x8080] =	vst v63  }
0x69: {  	_ =	swait.ge [sflag:s9], $0x80  }
0x6a: {  	[sflag:s9] =	ssyncset.done $0x0  }
0x6b: {  	[sflag:s9] =	ssyncadd.s32 $0xFFFFFF80  }
0x6c: {  	_ =	sfence.sel $0x180000  }
0x6d: {  	[bflag:$0x0] =	sbarrier.arrive $0xFFFF  }
0x6e: {  	p0 =	sne.s32 s1, $0x0;
	_ =	strace $0x90000047  }
0x6f: {  	s0 =	sadd.s32 @!p0 $0x100000, s0;
	[bflag:$0x2] =	sbarrier.arrive $0xFFFF  }
0x70: {  	[sflag:s0] =	ssyncadd.tile.s32 @!p0 $0x1;
	_ =	shalt  }
.Lfunc_end2:
_tile_overlayer_lowered:
.L_overlay_start_2:
0x71: {  	(tag) =	ssettag $0x2  }
0x72: {  	s0 =	rddreg [dreg:$0x0];
	s2 =	stileid.u32  }
0x73: {  	s1 =	rddreg [dreg:$0x1];
	p0 =	sne.s32 s2, $0x0  }
0x74: {  	s3 =	rddreg [dreg:$0x2];
	[bflag:$0x3] =	sbarrier.arrive $0xFFFF;
	s2 =	simm.s32 @!p0 $0x1C01  }
0x75: {  	[timem:s3], [sflag:s2] =	dma.local @!p0 [hbm:s0], s1  }
0x76: {  	s0 =	simm.s32 @!p0 $0x1  }
0x77: {  	_ =	swait.ge @!p0 [sflag:s0], s1  }
0x78: {  	s1 =	ssub.s32 @!p0 $0x0, s1;
	[sflag:s0] =	ssyncset.done @!p0 $0x0  }
0x79: {  	[sflag:s0] =	ssyncadd.s32 @!p0 s1  }
0x7a: {  	[bflag:$0x3] =	sbarrier.arrive $0xFFFF  }
0x7b: {  	_ =	shalt  }

</sc_bundles>
